<compile_context>
chip_gen: v7x
topology: tpu7x:2x2x1
jax: 0.10.2.dev20260603
libtpu: 0.0.44.dev20260713+nightly
codegen_flags: <defaults>
</compile_context>

<pallas_src>
import functools

import jax
import jax.numpy as jnp
from jax import lax
from jax.experimental import pallas as pl
from jax.experimental.pallas import tpu as pltpu
from jax.experimental.pallas import tpu_sc as plsc

B = 4096
S = 50
NNEG = 10
VOCAB = 1000000
D = 32
K = 4
ROUTING = 3

NC = 2
NS = 16
NW = NC * NS
CHUNK = 128

HCH = (B * S) // (NW * CHUNK)
NCH = (B * NNEG) // (NW * CHUNK)

assert HCH * NW * CHUNK == B * S and NCH * NW * CHUNK == B * NNEG
assert B // NW == CHUNK


def _remap16(v):
    high = v & jnp.int32(~(SUP - 1))
    return high + ((v & jnp.int32(QB - 1)) << 2) + ((v >> 13) & jnp.int32(3))


def _sc_gather_items_body(item_hbm, hidx_hbm, nidx_hbm, pidx_hbm,
                          out_h, out_n, out_p,
                          hidx_v, nidx_v, pidx_v, buf, sbuf, sem, ssem):
    cid = lax.axis_index("c")
    sid = lax.axis_index("s")
    wid = sid * NC + cid
    pltpu.sync_copy(hidx_hbm.at[wid], hidx_v)
    pltpu.sync_copy(nidx_hbm.at[wid], nidx_v)
    pltpu.sync_copy(pidx_hbm.at[wid], pidx_v)

    for l in range(CHUNK // 16):
        sl = pl.ds(l * 16, 16)
        pidx_v[sl] = _remap16(pidx_v[sl])

    @pl.loop(0, NCH)
    def _rn(j):
        for l in range(CHUNK // 16):
            sl = pl.ds(l * 16, 16)
            nidx_v[j, sl] = _remap16(nidx_v[j, sl])

    @pl.loop(0, HCH)
    def _rh(j):
        for l in range(CHUNK // 16):
            sl = pl.ds(l * 16, 16)
            hidx_v[j, sl] = _remap16(hidx_v[j, sl])

    pltpu.async_copy(item_hbm.at[pidx_v], sbuf, ssem).wait()
    pltpu.sync_copy(sbuf, out_p.at[pl.ds(wid * CHUNK, CHUNK)])

    nbase = wid * NCH * CHUNK

    @pl.loop(0, NCH)
    def _nstep(j):
        pltpu.async_copy(item_hbm.at[nidx_v.at[j]], buf, sem).wait()
        pltpu.sync_copy(buf, out_n.at[pl.ds(nbase + j * CHUNK, CHUNK)])

    hbase = wid * HCH * CHUNK

    @pl.loop(0, HCH)
    def _hstep(j):
        pltpu.async_copy(item_hbm.at[hidx_v.at[j]], buf, sem).wait()
        pltpu.sync_copy(buf, out_h.at[pl.ds(hbase + j * CHUNK, CHUNK)])


def _sc_gather_body(item_hbm, user_hbm, hidx_hbm, nidx_hbm, pidx_hbm, uidx_hbm,
                    out_h, out_n, out_p, out_u,
                    hidx_v, nidx_v, pidx_v, uidx_v, buf, sbuf, sem, ssem):
    cid = lax.axis_index("c")
    sid = lax.axis_index("s")
    wid = sid * NC + cid
    pltpu.sync_copy(uidx_hbm.at[wid], uidx_v)
    for l in range(CHUNK // 16):
        sl = pl.ds(l * 16, 16)
        uidx_v[sl] = _remap16(uidx_v[sl])
    pltpu.async_copy(user_hbm.at[uidx_v], sbuf, ssem).wait()
    pltpu.sync_copy(sbuf, out_u.at[pl.ds(wid * CHUNK, CHUNK)])
    _sc_gather_items_body(item_hbm, hidx_hbm, nidx_hbm, pidx_hbm,
                          out_h, out_n, out_p,
                          hidx_v, nidx_v, pidx_v, buf, sbuf, sem, ssem)


@jax.jit
def _sc_gather(item_table, user_table, hidx3, nidx3, pidx2, uidx2):
    mesh = plsc.VectorSubcoreMesh(core_axis_name="c", subcore_axis_name="s")
    return pl.kernel(
        _sc_gather_body,
        out_type=(
            jax.ShapeDtypeStruct((B * S, D), jnp.float32),
            jax.ShapeDtypeStruct((B * NNEG, D), jnp.float32),
            jax.ShapeDtypeStruct((B, D), jnp.float32),
            jax.ShapeDtypeStruct((B, D), jnp.float32),
        ),
        mesh=mesh,
        compiler_params=pltpu.CompilerParams(use_tc_tiling_on_sc=False),
        scratch_types=[
            pltpu.VMEM((HCH, CHUNK), jnp.int32),
            pltpu.VMEM((NCH, CHUNK), jnp.int32),
            pltpu.VMEM((CHUNK,), jnp.int32),
            pltpu.VMEM((CHUNK,), jnp.int32),
            pltpu.VMEM((CHUNK, D), jnp.float32),
            pltpu.VMEM((CHUNK, D), jnp.float32),
            pltpu.SemaphoreType.DMA,
            pltpu.SemaphoreType.DMA,
        ],
    )(item_table, user_table, hidx3, nidx3, pidx2, uidx2)


QB = 8192
SUP = 4 * QB
NSUPER = -(-VOCAB // SUP)
VP = NSUPER * SUP
NINB = -(-VOCAB // QB) - 1


def _tp_body(x0, x1, x2, x3, eyed, o_ref):
    dn = (((0,), (0,)), ((), ()))
    o_ref[...] = jnp.concatenate(
        [lax.dot_general(x[...], eyed[...], dn,
                         preferred_element_type=jnp.float32)
         for x in (x0, x1, x2, x3)], axis=1)


@jax.jit
def _to_linear(tbl):
    t_t = jnp.swapaxes(tbl, 0, 1)
    specs = [
        pl.BlockSpec((D, QB), functools.partial(
            lambda j, i: (0, jnp.minimum(i * 4 + j, NINB)), j))
        for j in range(4)
    ] + [pl.BlockSpec((D, D), lambda i: (0, 0))]
    packed = pl.pallas_call(
        _tp_body,
        grid=(NSUPER,),
        in_specs=specs,
        out_specs=pl.BlockSpec((QB, 4 * D), lambda i: (i, 0)),
        out_shape=jax.ShapeDtypeStruct((NSUPER * QB, 4 * D), jnp.float32),
    )(t_t, t_t, t_t, t_t, jnp.eye(D, dtype=jnp.float32))
    return packed.reshape(VP, D)


def _l2n(x):
    n = jnp.sqrt(jnp.sum(x * x, axis=-1, keepdims=True))
    return x / jnp.maximum(n, 1e-12)


KD = K * D


def _tc_body(hist_rows, hist_item, urows, prows, nrows, cw0, lw4, wconv, bd, y):
    bb = hist_item.shape[0]
    hat4 = jnp.dot(hist_rows[...], lw4[...],
                   preferred_element_type=jnp.float32)
    hat3 = hat4.reshape(bb, S, KD)
    mf3 = (hist_item[...] > 0).astype(jnp.float32)[:, :, None]
    cw0b = cw0[...]
    cw = jnp.concatenate(
        [jnp.broadcast_to(cw0b[:, k, :][:, :, None], (bb, S, D))
         for k in range(K)], axis=2)

    ints = None
    for it in range(ROUTING):
        m = jnp.max(cw, axis=1, keepdims=True)
        e = jnp.exp(cw - m)
        den = jnp.sum(e, axis=1)
        em = e * mf3
        raw = jnp.sum(em * hat3, axis=1)
        ik = raw / den
        cap = jnp.dot(ik * ik, bd[...], preferred_element_type=jnp.float32)
        ints = cap / (1.0 + cap) / jnp.sqrt(cap + 1e-9) * ik
        if it < ROUTING - 1:
            prod = (hat3 * ints[:, None, :]).reshape(bb * S, KD)
            d2 = jnp.dot(prod, bd[...], preferred_element_type=jnp.float32)
            cw = cw + d2.reshape(bb, S, KD)

    ue4 = jnp.concatenate([urows[...]] * K, axis=1)
    iu4 = jnp.concatenate([ue4, ints], axis=1)
    ue4p = jnp.dot(iu4, wconv[...], preferred_element_type=jnp.float32)
    nrm = jnp.dot(ue4p * ue4p, bd[...], preferred_element_type=jnp.float32)
    ue4n = ue4p / jnp.maximum(jnp.sqrt(nrm), 1e-12)

    posn = _l2n(prows[...])
    posn4 = jnp.concatenate([posn] * K, axis=1)
    d4 = jnp.dot(ue4n * posn4, bd[...], preferred_element_type=jnp.float32)

    best = ue4n[:, 0:D]
    bestd = d4[:, 0:1]
    for k in range(1, K):
        dk = d4[:, D * k: D * k + 1]
        take = dk > bestd
        best = jnp.where(take, ue4n[:, D * k: D * (k + 1)], best)
        bestd = jnp.where(take, dk, bestd)

    nn = _l2n(nrows[...])
    item_sum = posn + jnp.sum(nn.reshape(bb, NNEG, D), axis=1)
    y[...] = best * item_sum


@functools.partial(jax.jit, static_argnames=("bb",))
def _tc_compute(hist_rows, hist_item, urows, prows, nrows, cw0, lin_w, conv_w,
                bb=128):
    lw4 = jnp.concatenate([lin_w] * K, axis=1)
    bd = jnp.kron(jnp.eye(K, dtype=jnp.float32),
                  jnp.ones((D, D), jnp.float32))
    wconv = jnp.concatenate(
        [jnp.kron(jnp.eye(K, dtype=jnp.float32), conv_w[:D]),
         jnp.kron(jnp.eye(K, dtype=jnp.float32), conv_w[D:])], axis=0)
    grid = (B // bb,)
    return pl.pallas_call(
        _tc_body,
        grid=grid,
        in_specs=[
            pl.BlockSpec((bb * S, D), lambda i: (i, 0)),
            pl.BlockSpec((bb, S), lambda i: (i, 0)),
            pl.BlockSpec((bb, D), lambda i: (i, 0)),
            pl.BlockSpec((bb, D), lambda i: (i, 0)),
            pl.BlockSpec((bb * NNEG, D), lambda i: (i, 0)),
            pl.BlockSpec((bb, K, S), lambda i: (i, 0, 0)),
            pl.BlockSpec((D, KD), lambda i: (0, 0)),
            pl.BlockSpec((2 * KD, KD), lambda i: (0, 0)),
            pl.BlockSpec((KD, KD), lambda i: (0, 0)),
        ],
        out_specs=pl.BlockSpec((bb, D), lambda i: (i, 0)),
        out_shape=jax.ShapeDtypeStruct((B, D), jnp.float32),
    )(hist_rows, hist_item, urows, prows, nrows, cw0, lw4, wconv, bd)


def kernel(user_id, hist_item, item_id, neg_items, user_table, item_table,
           convert_w, linear_w, capsule_weight_init):
    hidx3 = hist_item.astype(jnp.int32).reshape(NW, HCH, CHUNK)
    nidx3 = neg_items.astype(jnp.int32).reshape(NW, NCH, CHUNK)
    pidx2 = item_id.astype(jnp.int32).reshape(NW, CHUNK)
    uidx2 = user_id.astype(jnp.int32).reshape(NW, CHUNK)

    hrows, xnrows, prows, urows = _sc_gather(
        _to_linear(item_table), _to_linear(user_table),
        hidx3, nidx3, pidx2, uidx2)

    return _tc_compute(hrows, hist_item, urows, prows, xnrows,
                       capsule_weight_init, linear_w, convert_w)

# --- scband reference (transcript-rebuilt; emitter-appended) ---
"""Pipeline reference for scband-mind-46909632807094 (READ-ONLY COPY).

The authoritative reference and input builder live on the scoring server;
editing this copy changes nothing except your own understanding.
"""

import jax, jax.numpy as jnp
import numpy as np

B = 4096
S = 50
NNEG = 10
VOCAB = 1000000
D = 32
K = 4
ROUTING = 3


def setup_inputs(seed: int = 0):
    key = jax.random.key(seed)
    ks = jax.random.split(key, 9)
    user_id = jax.random.randint(ks[0], (B,), 0, VOCAB)
    hist_item = jax.random.randint(ks[1], (B, S), 0, VOCAB)
    item_id = jax.random.randint(ks[2], (B,), 0, VOCAB)
    neg_items = jax.random.randint(ks[3], (B, NNEG), 0, VOCAB)
    user_table = jax.random.normal(ks[4], (VOCAB, D), dtype=jnp.float32) * 0.02
    item_table = jax.random.normal(ks[5], (VOCAB, D), dtype=jnp.float32) * 0.02
    convert_w = jax.random.uniform(ks[6], (2 * D, D), dtype=jnp.float32)
    linear_w = jax.random.normal(ks[7], (D, D), dtype=jnp.float32) * (1.0 / np.sqrt(D))
    capsule_weight_init = jax.random.normal(ks[8], (B, K, S), dtype=jnp.float32)
    return {"user_id": user_id, "hist_item": hist_item, "item_id": item_id,
            "neg_items": neg_items, "user_table": user_table, "item_table": item_table,
            "convert_w": convert_w, "linear_w": linear_w,
            "capsule_weight_init": capsule_weight_init}


def _l2norm(x):
    n = jnp.sqrt(jnp.sum(x * x, axis=-1, keepdims=True))
    return x / jnp.maximum(n, 1e-12)


def _squash(interest):
    cap_norm = jnp.sum(jnp.square(interest), axis=-1, keepdims=True)
    scalar = cap_norm / (1.0 + cap_norm) / jnp.sqrt(cap_norm + 1e-9)
    return scalar * interest


def _capsule(history_emb, mask, linear_w, capsule_weight):
    # bilinear_type = 0: shared linear map, tiled over interests
    item_eb_hat = jnp.matmul(history_emb, linear_w)                     # [B,S,D]
    item_eb_hat = jnp.tile(item_eb_hat, (1, 1, K))                      # [B,S,K*D]
    item_eb_hat = item_eb_hat.reshape(B, S, K, D).transpose(0, 2, 1, 3)  # [B,K,S,D]
    item_eb_hat_iter = jax.lax.stop_gradient(item_eb_hat)
    atten_mask = jnp.repeat(mask[:, None, :], K, axis=1)                # [B,K,S]
    interest = None
    for i in range(ROUTING):
        w = jax.nn.softmax(capsule_weight, axis=-1)
        w = jnp.where(atten_mask == 0, jnp.zeros_like(w), w)
        w = w[:, :, None, :]                                            # [B,K,1,S]
        if i < ROUTING - 1:
            interest = _squash(jnp.matmul(w, item_eb_hat_iter))         # [B,K,1,D]
            delta = jnp.matmul(item_eb_hat_iter, jnp.swapaxes(interest, 2, 3))  # [B,K,S,1]
            capsule_weight = capsule_weight + delta.reshape(B, K, S)
        else:
            interest = _squash(jnp.matmul(w, item_eb_hat))
    return interest.reshape(B, K, D)


def reference(user_id, hist_item, item_id, neg_items, user_table, item_table,
              convert_w, linear_w, capsule_weight_init):
    # ---- user tower ----
    input_user = jnp.take(user_table, user_id, axis=0)                  # [B,D]
    input_user = jnp.broadcast_to(input_user[:, None, :], (B, K, D))    # [B,K,D]
    history_emb = jnp.take(item_table, hist_item, axis=0)               # [B,S,D]
    mask = (hist_item > 0).astype(jnp.int32)                            # [B,S]
    multi_interest = _capsule(history_emb, mask, linear_w, capsule_weight_init)  # [B,K,D]
    iu = jnp.concatenate([input_user, multi_interest], axis=-1)         # [B,K,2D]
    user_embedding = _l2norm(jnp.matmul(iu, convert_w))                 # [B,K,D]
    # ---- item tower ----
    pos = _l2norm(jnp.take(item_table, item_id, axis=0))[:, None, :]    # [B,1,D]
    neg = _l2norm(jnp.take(item_table, neg_items, axis=0))              # [B,NNEG,D]
    item_embedding = jnp.concatenate([pos, neg], axis=1)                # [B,1+NNEG,D]
    # ---- interest selection + score ----
    pos_item = item_embedding[:, 0, :]                                  # [B,D]
    dot_res = jnp.matmul(user_embedding, pos_item[:, :, None])          # [B,K,1]
    k_index = jnp.argmax(dot_res, axis=1)                               # [B,1]
    best = jnp.take_along_axis(user_embedding, k_index[:, :, None], axis=1)  # [B,1,D]
    y = jnp.sum(best * item_embedding, axis=1)                          # [B,D]
    return y


if False:  # reference __main__ guard neutralized (emitter)
    out = reference(**setup_inputs())
    print(out.shape, out.dtype)

if __name__ == "__main__":
    import jax
    _d = setup_inputs()
    print(jax.jit(kernel)(*tuple(_d.values())))

</pallas_src>

<mosaic_0001>
module attributes {stable_mosaic.version = 14 : i64} {
  func.func @_tp_body(%arg0: i32, %arg1: memref<32x8192xf32, #tpu.memory_space<vmem>>, %arg2: memref<32x8192xf32, #tpu.memory_space<vmem>>, %arg3: memref<32x8192xf32, #tpu.memory_space<vmem>>, %arg4: memref<32x8192xf32, #tpu.memory_space<vmem>>, %arg5: memref<32x32xf32, #tpu.memory_space<vmem>>, %arg6: memref<8192x128xf32, #tpu.memory_space<vmem>>) attributes {dimension_semantics = [#tpu.dimension_semantics<arbitrary>], iteration_bounds = array<i64: 31>, scalar_prefetch = 0 : i64, scratch_operands = 0 : i64, tpu.core_type = #tpu.core_type<tc>, window_params = [{transform_indices = @transform_0, window_bounds = array<i64: 32, 8192>}, {transform_indices = @transform_1, window_bounds = array<i64: 32, 8192>}, {transform_indices = @transform_2, window_bounds = array<i64: 32, 8192>}, {transform_indices = @transform_3, window_bounds = array<i64: 32, 8192>}, {pipeline_mode = #tpu.pipeline_mode<synchronous>, transform_indices = @transform_4, window_bounds = array<i64: 32, 32>}, {transform_indices = @transform_5, window_bounds = array<i64: 8192, 128>}]} {
    %get3A = arith.constant 0 : index
    %get3A_0 = arith.constant 0 : index
    %get3A_1 = vector.load %arg1[%get3A, %get3A_0] : memref<32x8192xf32, #tpu.memory_space<vmem>>, vector<32x8192xf32>
    %get3A_2 = arith.constant 0 : index
    %get3A_3 = arith.constant 0 : index
    %get3A_4 = vector.load %arg5[%get3A_2, %get3A_3] : memref<32x32xf32, #tpu.memory_space<vmem>>, vector<32x32xf32>
    %dot_general3A = arith.constant dense<0.000000e+00> : vector<8192x32xf32>
    %dot_general3A_5 = tpu.matmul %get3A_1, %get3A_4, %dot_general3A {dimension_numbers = #tpu.dot_dimension_numbers<[0], [0], [1], [1], [0, 1, 1, 1], [], []>, transpose_lhs_hint = false} : vector<32x8192xf32>, vector<32x32xf32>, vector<8192x32xf32> -> vector<8192x32xf32>
    %get3A_6 = arith.constant 0 : index
    %get3A_7 = arith.constant 0 : index
    %get3A_8 = vector.load %arg2[%get3A_6, %get3A_7] : memref<32x8192xf32, #tpu.memory_space<vmem>>, vector<32x8192xf32>
    %get3A_9 = arith.constant 0 : index
    %get3A_10 = arith.constant 0 : index
    %get3A_11 = vector.load %arg5[%get3A_9, %get3A_10] : memref<32x32xf32, #tpu.memory_space<vmem>>, vector<32x32xf32>
    %dot_general3A_12 = arith.constant dense<0.000000e+00> : vector<8192x32xf32>
    %dot_general3A_13 = tpu.matmul %get3A_8, %get3A_11, %dot_general3A_12 {dimension_numbers = #tpu.dot_dimension_numbers<[0], [0], [1], [1], [0, 1, 1, 1], [], []>, transpose_lhs_hint = false} : vector<32x8192xf32>, vector<32x32xf32>, vector<8192x32xf32> -> vector<8192x32xf32>
    %get3A_14 = arith.constant 0 : index
    %get3A_15 = arith.constant 0 : index
    %get3A_16 = vector.load %arg3[%get3A_14, %get3A_15] : memref<32x8192xf32, #tpu.memory_space<vmem>>, vector<32x8192xf32>
    %get3A_17 = arith.constant 0 : index
    %get3A_18 = arith.constant 0 : index
    %get3A_19 = vector.load %arg5[%get3A_17, %get3A_18] : memref<32x32xf32, #tpu.memory_space<vmem>>, vector<32x32xf32>
    %dot_general3A_20 = arith.constant dense<0.000000e+00> : vector<8192x32xf32>
    %dot_general3A_21 = tpu.matmul %get3A_16, %get3A_19, %dot_general3A_20 {dimension_numbers = #tpu.dot_dimension_numbers<[0], [0], [1], [1], [0, 1, 1, 1], [], []>, transpose_lhs_hint = false} : vector<32x8192xf32>, vector<32x32xf32>, vector<8192x32xf32> -> vector<8192x32xf32>
    %get3A_22 = arith.constant 0 : index
    %get3A_23 = arith.constant 0 : index
    %get3A_24 = vector.load %arg4[%get3A_22, %get3A_23] : memref<32x8192xf32, #tpu.memory_space<vmem>>, vector<32x8192xf32>
    %get3A_25 = arith.constant 0 : index
    %get3A_26 = arith.constant 0 : index
    %get3A_27 = vector.load %arg5[%get3A_25, %get3A_26] : memref<32x32xf32, #tpu.memory_space<vmem>>, vector<32x32xf32>
    %dot_general3A_28 = arith.constant dense<0.000000e+00> : vector<8192x32xf32>
    %dot_general3A_29 = tpu.matmul %get3A_24, %get3A_27, %dot_general3A_28 {dimension_numbers = #tpu.dot_dimension_numbers<[0], [0], [1], [1], [0, 1, 1, 1], [], []>, transpose_lhs_hint = false} : vector<32x8192xf32>, vector<32x32xf32>, vector<8192x32xf32> -> vector<8192x32xf32>
    %concatenate3A = tpu.concatenate %dot_general3A_5, %dot_general3A_13, %dot_general3A_21, %dot_general3A_29 in 1 : vector<8192x32xf32>, vector<8192x32xf32>, vector<8192x32xf32>, vector<8192x32xf32> -> vector<8192x128xf32>
    %swap3A = arith.constant 0 : index
    %swap3A_30 = arith.constant 0 : index
    %swap3A_31 = vector.load %arg6[%swap3A, %swap3A_30] : memref<8192x128xf32, #tpu.memory_space<vmem>>, vector<8192x128xf32>
    tpu.vector_store %arg6[%swap3A, %swap3A_30], %concatenate3A {strides = array<i32>} : memref<8192x128xf32, #tpu.memory_space<vmem>>, vector<8192x128xf32>,
    return
  }
  func.func @transform_0(%arg0: i32) -> (i32, i32) {
    %mul3A = arith.constant 4 : i32
    %mul3A_0 = arith.muli %arg0, %mul3A : i32
    %add3A = arith.constant 0 : i32
    %add3A_1 = arith.addi %mul3A_0, %add3A : i32
    %min3A = arith.constant 122 : i32
    %min3A_2 = arith.minsi %add3A_1, %min3A : i32
    %c0_i32 = arith.constant 0 : i32
    %c0_i32_3 = arith.constant 0 : i32
    return %c0_i32, %min3A_2 : i32, i32
  }
  func.func @transform_1(%arg0: i32) -> (i32, i32) {
    %mul3A = arith.constant 4 : i32
    %mul3A_0 = arith.muli %arg0, %mul3A : i32
    %add3A = arith.constant 1 : i32
    %add3A_1 = arith.addi %mul3A_0, %add3A : i32
    %min3A = arith.constant 122 : i32
    %min3A_2 = arith.minsi %add3A_1, %min3A : i32
    %c0_i32 = arith.constant 0 : i32
    %c0_i32_3 = arith.constant 0 : i32
    return %c0_i32, %min3A_2 : i32, i32
  }
  func.func @transform_2(%arg0: i32) -> (i32, i32) {
    %mul3A = arith.constant 4 : i32
    %mul3A_0 = arith.muli %arg0, %mul3A : i32
    %add3A = arith.constant 2 : i32
    %add3A_1 = arith.addi %mul3A_0, %add3A : i32
    %min3A = arith.constant 122 : i32
    %min3A_2 = arith.minsi %add3A_1, %min3A : i32
    %c0_i32 = arith.constant 0 : i32
    %c0_i32_3 = arith.constant 0 : i32
    return %c0_i32, %min3A_2 : i32, i32
  }
  func.func @transform_3(%arg0: i32) -> (i32, i32) {
    %mul3A = arith.constant 4 : i32
    %mul3A_0 = arith.muli %arg0, %mul3A : i32
    %add3A = arith.constant 3 : i32
    %add3A_1 = arith.addi %mul3A_0, %add3A : i32
    %min3A = arith.constant 122 : i32
    %min3A_2 = arith.minsi %add3A_1, %min3A : i32
    %c0_i32 = arith.constant 0 : i32
    %c0_i32_3 = arith.constant 0 : i32
    return %c0_i32, %min3A_2 : i32, i32
  }
  func.func @transform_4(%arg0: i32) -> (i32, i32) {
    %c0_i32 = arith.constant 0 : i32
    %c0_i32_0 = arith.constant 0 : i32
    %c0_i32_1 = arith.constant 0 : i32
    return %c0_i32, %c0_i32_0 : i32, i32
  }
  func.func @transform_5(%arg0: i32) -> (i32, i32) {
    %c0_i32 = arith.constant 0 : i32
    %c0_i32_0 = arith.constant 0 : i32
    return %arg0, %c0_i32 : i32, i32
  }
}

</mosaic_0001>

<sc_bundles>
// kernel: sparse-core-data-format-call.cloned.1.call-start
scs
called_computation_lowered:
.L_overlay_start_0:
0x0: {  	s2 =	sld [smem:$0x3FD9]  }
0x1: {  	s3 =	sld [smem:$0x3FFE];
	_ =	sdelay $0x1  }
0x2: {  	s1 =	srdreg.scid  }
0x3: {  	s0 =	sand.u32 $0x1, s1  }
0x4: {  	s18 =	sshll.u32 s0, $0xA;
	s2 =	sadd.s32 s3, s2  }
0x5: {  	s2 =	sadd.s32 s2, s18  }
0x6: {  	[smem:$0x3FC7] =	sst s2  }
0x7: {  	_ = 	snop  }
0x8: {  	s2 =	sld [smem:$0x3FD0];
	(tm) =	ssettm $0x1  }
0x9: {  	s19 =	sld [smem:$0x3FFB];
	_ =	sdelay $0x3  }
0xa: {  	_ =	strace s19  }
0xb: {  	s3 =	sld [smem:$0x3FFC];
	_ =	sdelay $0x3  }
0xc: {  	_ =	strace s3  }
0xd: {  	s3 =	sld [smem:$0x3FFD];
	_ =	sdelay $0x3  }
0xe: {  	_ =	strace s3  }
0xf: {  	_ =	strace $0x8FFFFFFF  }
0x10: {  	s20 =	sld [smem:$0x3FDB];
	_ =	sdelay $0x1  }
0x11: {  	s4 =	simm.s32 $_scs_section_size  }
0x12: {  	s5 =	simm.s32 $_size__tile_overlayer_lowered;
	s6 =	simm.s32 $_tile_overlayer_lowered  }
0x13: {  	s23 =	simm.s32 $0x1BFF;
	s22 =	sshll.u32 s6, $0x1;
	s3 =	sadd.s32 s4, s20  }
0x14: {  	s7 =	simm.s32 $0x0;
	s21 =	sshll.u32 s5, $0x1;
	s5 =	sadd.s32 s22, s3  }
0x15: {  	[timem:s7], [sflag:s23] =	dma.local [hbm:s5], s21  }
0x16: {  	_ =	swait.ge [sflag:s23], s21  }
0x17: {  	s4 =	ssub.s32 $0x0, s21;
	[sflag:s23] =	ssyncset.done $0x0  }
0x18: {  	[sflag:s23] =	ssyncadd.s32 s4;
	_ =	sdelay $0x1  }
0x19: {  	s24 =	simm.s32 $0x1B8B  }
0x1a: {  	_ =	swait.ge [sflag:s24], $0x1  }
0x1b: {  	[sflag:s24] =	ssyncset.done $0x0  }
0x1c: {  	s26 =	simm.s32 $0x1B8E;
	s25 =	sld [smem:$0x3FFE];
	[sflag:s24] =	ssyncadd.s32 $0xFFFFFFFF  }
0x1d: {  	s27 =	simm.s32 $execute0_lowered;
	[smem:$0x3FD2] =	sst s26  }
0x1e: {  	s5 =	sshll.u32 s27, $0x1;
	_ =	strace $0x80000046;
	[dreg:$0x1] =	wrdreg $0xFFFFFFFF  }
0x1f: {  	s28 =	simm.s32 $_size_execute0_lowered;
	s3 =	sadd.s32 s3, s5;
	[dreg:$0x0] =	wrdreg $0x0  }
0x20: {  	s5 =	sshll.u32 s28, $0x1;
	[dreg:$0x2] =	wrdreg s3  }
0x21: {  	[dreg:$0x3] =	wrdreg s5  }
0x22: {  	[dreg:$0x4] =	wrdreg $0xC0  }
0x23: {  	_ =	task [dreg:s7], $0x5FFFF  }
0x24: {  	[dreg:$0x1] =	wrdreg $0xFFFFFFFF  }
0x25: {  	[dreg:$0x0] =	wrdreg $0x60  }
0x26: {  	[dreg:$0x2] =	wrdreg s25  }
0x27: {  	[dreg:$0x3] =	wrdreg s2  }
0x28: {  	[dreg:$0x4] =	wrdreg $0x9  }
0x29: {  	_ =	task.clear_ibuf [dreg:s7], $0x5FFFF;
	_ =	strace $0x90000046  }
0x2a: {  	s29 =	simm.s32 $0x9;
	_ =	strace $0x80000048  }
0x2b: {  	_ =	swait.ge [sflag:s29], $0x1  }
0x2c: {  	[sflag:s29] =	ssyncadd.s32 $0xFFFFFFFF  }
0x2d: {  	_ =	strace $0x90000048  }
0x2e: {  	_ =	sfence  }
0x2f: {  	s30 =	sld [smem:$0x0];
	_ =	sdelay $0x2  }
0x30: {  	s31 =	sshll.u32 s1, $0xD;
	s1 =	sshrl.u32 s1, $0x2  }
0x31: {  	s3 =	sand.u32 $0x4000, s31;
	s1 =	sadd.s32 s1, s30  }
0x32: {  	s0 =	sor.u32 s3, s0;
	s1 =	sshll.u32 s1, $0x11  }
0x33: {  	s0 =	sor.u32 s1, s0  }
0x34: {  	s0 =	sadd.s32 $0x8F2B, s0  }
0x35: {  	[sflag:s0] =	ssyncadd.remote.s32 $0x1  }
0x36: {  	_ =	sfence.sel $0xFFFF  }
0x37: {  	[dreg:$0x0] =	wrdreg $0xFFFFFFFF;
	(pc) =	sbr.abs _section_cstart, $3  }
0x38: {  	[dreg:$0x1] =	wrdreg $0xFFFFFFFF  }
0x39: {  	_ =	task.clear_ibuf [dreg:s7], $0x2FFFF;
	_ =	strace $0x9FFFFFFF  }
0x3a: {  	(tm) =	ssettm $0x7FFFFFFF  }
0x3b: {  	_ =	shalt  }
tec
execute0_lowered:
.L_overlay_start_1:
0x0: {  	(tag) =	ssettag $0x1  }
0x1: {  	s0 =	srdreg.scid  }
0x2: {  	s1 =	sshll.u32 s0, $0x4  }
0x3: {  	s4 =	rddreg [dreg:$0x0];
	s0 =	stileid.u32;
	s1 =	sand.u32 $0x10, s1  }
0x4: {  	s2 =	rddreg [dreg:$0x1];
	s7 =	simm.s32 $0x1;
	s1 =	sor.u32 s0, s1  }
0x5: {  	s8 =	simm.s32 $0x2;
	s11 =	simm.s32 $0x0;
	s3 =	sshll.u32 s1, $0x7  }
0x6: {  	s10 =	simm.s32 $0x0;
	s4 =	sadd.s32 $0x400, s4;
	s6 =	ssub.s32 $0xF8000, s3  }
.Ltmp0:
0x7: {  	s1 =	rddreg [dreg:$0x2];
	s5 =	sand.u32 $0xF80, s6;
	(pc) =	sbr.rel .LBB1_1-.Ltmp0, $4  }
0x8: {  	_ =	strace $0x80000047;
	s9 =	smov.u32 s3;
	p0 =	sne.s32 s5, $0x0  }
0x9: {  	s6 =	sshrl.u32 s6, $0xC;
	s5 =	simm.s32 $0x1;
	s7 =	simm.s32 @!p0 $0x0  }
0xa: {  	[sflag:s5] =	ssyncpa.u1 $0x0;
	p0 =	por $0x0, $0x0;
	s6 =	sadd.s32 s7, s6  }
0xb: {  	[sflag:s8] =	ssyncpa.u1 $0x0;
	s8 =	simm.s32 $0x7C0000;
	s7 =	sadd.s32 $0x1, s6  }
.LBB1_4:
0xc: {  	s14 =	sshll.u32 s11, $0x3  }
0xd: {  	s15 =	sshrl.u32 s14, $0xF  }
0xe: {  	s15 =	smulhi.u32 $0x8421085, s15;
	_ =	sdelay $0x1  }
0xf: {  	s28 =	sand.u32 $0x7F, s11;
	s14 =	sand.u32 $0xFFFFFC00, s14;
	s16 =	smul.u32 $0xF8000, s15  }
0x10: {  	s11 =	sor.u32 s28, s14;
	s29 =	sand.u32 $0x1F, s15  }
0x11: {  	s14 =	smul.u32 $0x1F000, s29;
	s11 =	ssub.s32 s11, s16  }
0x12: {  	s30 =	sand.u32 $0x7, s11  }
0x13: {  	s11 =	sshrl.u32 s11, $0x3;
	s14 =	sadd.s32 s2, s14;
	s15 =	sshll.u32 s30, $0x12  }
0x14: {  	[tilespmem:s13+$0x0 ss:$0x81] =	vst.msk $0xffff, v0;
	s11 =	sadd.s32 s11, s14;
	s31 =	sor.u32 $0x400, s15  }
0x15: {  	[hbm4b:s11+s31] =	stream.strided.scatter [tilespmem:s12], [sflag:$0x2], $0x1000, s8, s31, $0x20;
	[tilespmem:$0x4040] =	vst v63  }
.LBB1_5:
0x16: {  	s13 =	sadd.s32 $0x1000, s9  }
0x17: {  	p2 =	sgt.s32 s13, $0xF7FFF  }
0x18: {  	s13 =	smov.u32 @p2 s3;
	p2 =	sne.s32 s10, s7  }
.Ltmp1:
0x19: {  	p1 =	slt.u32 s10, $0x2;
	(pc) =	sbr.rel @!p2 .LBB1_6-.Ltmp1, $4  }
0x1a: {  	s12 =	simm.s32 @!p1 $0x2  }
0x1b: {  	s14 =	sadd.s32 $0x1, s10;
	_ =	swait.ge @!p1 [sflag:s12], $0x1000  }
0x1c: {  	s11 =	smov.u32 s9;
	p0 =	por !p0, !p0;
	[sflag:s12] =	ssyncset.done @!p1 $0x0  }
0x1d: {  	s10 =	smov.u32 s14;
	s9 =	smov.u32 s13;
	[sflag:s12] =	ssyncadd.s32 @!p1 $0xFFFFF000  }
.LBB1_1:
0x1e: {  	p1 =	sge.u32 s10, s6  }
0x1f: {  	s12 =	sand.u32 @!p1 $0x1FFFFFF, s9  }
0x20: {  	s13 =	smulhi.u32 @!p1 $0x1084211, s12;
	_ =	sdelay $0x1  }
0x21: {  	s13 =	sshrl.u32 @!p1 s13, $0xC  }
0x22: {  	s13 =	smul.u32 @!p1 $0xF8000, s13;
	_ =	sdelay $0x1  }
0x23: {  	s31 =	sadd.s32 $0xFFFFFFFF, s10;
	s14 =	sxor.u32 @!p1 $0xFFFFFFFF, s10;
	s12 =	ssub.s32 @!p1 s12, s13  }
0x24: {  	s15 =	simm.s32 @!p1 $0x80;
	s14 =	sshll.u32 @!p1 s14, $0xC;
	s12 =	sshll.u32 @!p1 s12, $0x4  }
0x25: {  	s13 =	sand.u32 @!p1 $0x1000, s14;
	s14 =	simm.s32 @!p1 $0x20;
	s12 =	sadd.s32 @!p1 s4, s12  }
0x26: {  	[tilespmem:s13], [sflag:$0x1] =	stream.strided.gather @!p1 [hbm4b:s12+s14], $0x1000, s15, s14, $0x38;
	[tilespmem:$0x4040] =	vst v63  }
0x27: {  	p1 =	sge.u32 s31, s6  }
.Ltmp2:
0x28: {  	_ = 	snop;
	(pc) =	sbr.rel @p1 .LBB1_5-.Ltmp2, $1  }
0x29: {  	_ =	sdelay $0x3  }
0x2a: {  	s12 =	simm.s32 $0x1  }
0x2b: {  	_ =	swait.ge [sflag:s5], $0x1000;
	s12 =	simm.s32 @!p0 $0x0  }
0x2c: {  	[sflag:s5] =	ssyncset.done $0x0;
	s13 =	sshll.u32 s12, $0xC  }
0x2d: {  	[sflag:s5] =	ssyncadd.s32 $0xFFFFF000;
	s16 =	sor.u32 $0x10, s13  }
0x2e: {  	s12 =	smul.u32 $0x4080, s12;
	v1 =	vld [tilespmem:s16+$0x0]  }
0x2f: {  	s30 =	sand.u32 $0x1, s10;
	v0 =	vld [tilespmem:s16+$0xFFFFFFF0]  }
0x30: {  	s13 =	smul.u32 $0x4080, s30;
	s12 =	sshrl.u32 s12, $0x2  }
0x31: {  	s14 =	sor.u32 $0x2000, s12  }
0x32: {  	s31 =	sshrl.u32 s13, $0x2;
	s13 =	sadd.s32 $0x0, s14  }
0x33: {  	s15 =	simm.s32 $0x4;
	s16 =	sadd.s32 $0x20, s16;
	s12 =	sor.u32 $0x2000, s31;
	[tilespmem:s13+$0x810 ss:$0x81] =	vst.msk $0xffff, v1  }
.LBB1_3:
0x34: {  	v1 =	vld [tilespmem:s16+$0x0];
	p1 =	sne.s32 s15, $0x1FC;
	[tilespmem:s13+$0x0 ss:$0x81] =	vst.msk $0xffff, v0;
	s13 =	smov.u32 s15;
	s15 =	sadd.s32 $0x4, s15  }
.Ltmp3:
0x35: {  	v0 =	vld [tilespmem:s16+$0xFFFFFFF0];
	(pc) =	sbr.rel @p1 .LBB1_3-.Ltmp3, $4  }
0x36: {  	_ = 	snop  }
0x37: {  	s13 =	sshra.s32 s13, $0x2  }
0x38: {  	s13 =	sadd.s32 s13, s14  }
0x39: {  	s16 =	sadd.s32 $0x20, s16;
	[tilespmem:s13+$0x810 ss:$0x81] =	vst.msk $0xffff, v1  }
.Ltmp4:
0x3a: {  	_ = 	snop;
	(pc) =	sbr.rel .LBB1_4-.Ltmp4, $1  }
0x3b: {  	_ =	sdelay $0x3  }
.LBB1_6:
0x3c: {  	_ =	sfence.sel $0x180000  }
0x3d: {  	s2 =	simm.s32 $0x1;
	[bflag:$0x0] =	sbarrier.arrive $0xFFFF  }
0x3e: {  	s31 =	simm.s32 $0x2;
	[sflag:s2] =	ssyncpa.u1 $0x1  }
0x3f: {  	[sflag:s31] =	ssyncpa.u1 $0x1  }
0x40: {  	p0 =	sne.s32 s0, $0x0;
	_ =	strace $0x90000047  }
0x41: {  	s0 =	sadd.s32 @!p0 $0x100000, s1;
	[bflag:$0x2] =	sbarrier.arrive $0xFFFF  }
0x42: {  	[sflag:s0] =	ssyncadd.tile.s32 @!p0 $0x1;
	_ =	shalt  }
.Lfunc_end1:
_tile_overlayer_lowered:
.L_overlay_start_2:
0x43: {  	(tag) =	ssettag $0x2  }
0x44: {  	s0 =	rddreg [dreg:$0x0];
	s2 =	stileid.u32  }
0x45: {  	s1 =	rddreg [dreg:$0x1];
	p0 =	sne.s32 s2, $0x0  }
0x46: {  	s3 =	rddreg [dreg:$0x2];
	[bflag:$0x3] =	sbarrier.arrive $0xFFFF;
	s2 =	simm.s32 @!p0 $0x1C01  }
0x47: {  	[timem:s3], [sflag:s2] =	dma.local @!p0 [hbm:s0], s1  }
0x48: {  	s0 =	simm.s32 @!p0 $0x1  }
0x49: {  	_ =	swait.ge @!p0 [sflag:s0], s1  }
0x4a: {  	s1 =	ssub.s32 @!p0 $0x0, s1;
	[sflag:s0] =	ssyncset.done @!p0 $0x0  }
0x4b: {  	[sflag:s0] =	ssyncadd.s32 @!p0 s1  }
0x4c: {  	[bflag:$0x3] =	sbarrier.arrive $0xFFFF  }
0x4d: {  	_ =	shalt  }

</sc_bundles>
